<compile_context>
chip_gen: v7x
topology: tpu7x:2x2x1
jax: 0.10.2.dev20260603
libtpu: 0.0.44.dev20260713+nightly
codegen_flags: <defaults>
</compile_context>

<pallas_src>
import functools

import jax
import jax.numpy as jnp
from jax import lax
from jax.experimental import pallas as pl
from jax.experimental.pallas import tpu as pltpu
from jax.experimental.pallas import tpu_sc as plsc

_NUM_GROUPS = 16
_FEAT = 128
_WIN = 32
_OUT_ROWS = _NUM_GROUPS * _NUM_GROUPS


def _sc_gather(gl_hbm, ind_hbm, lhs_hbm, ind_vm, rows_v, sem):
    c = lax.axis_index("c")
    s = lax.axis_index("s")
    wid = s * 2 + c
    g = wid // 2
    half = wid % 2
    pltpu.sync_copy(ind_hbm, ind_vm)
    sv = ind_vm[...]
    gvec = jnp.full((16,), g, dtype=jnp.int32)
    svec = lax.gather(
        sv, gvec[:, None],
        lax.GatherDimensionNumbers(offset_dims=(), collapsed_slice_dims=(0,),
                                   start_index_map=(0,)),
        slice_sizes=(1,), mode=lax.GatherScatterMode.PROMISE_IN_BOUNDS)
    row_idx = svec + half * 16 + lax.iota(jnp.int32, 16)
    cp = pltpu.make_async_copy(gl_hbm.at[row_idx], rows_v, sem)
    cp.start()
    cp.wait()
    pltpu.sync_copy(rows_v, lhs_hbm.at[pl.ds(wid * 16, 16), :])


def _tc_matmul(lhs_ref, right_ref, out_ref):
    for i in range(_NUM_GROUPS):
        cnt = 2 * i + 1
        res = jnp.dot(lhs_ref[i * _WIN:i * _WIN + _WIN], right_ref[i],
                      preferred_element_type=jnp.float32)
        out_ref[i * i:i * i + cnt, :] = res[:cnt, :]


def kernel(grouped_left, right, ind_group):
    mesh = plsc.VectorSubcoreMesh(core_axis_name="c", subcore_axis_name="s")
    sc_call = functools.partial(
        pl.kernel,
        mesh=mesh,
        out_type=jax.ShapeDtypeStruct((_NUM_GROUPS * _WIN, _FEAT),
                                      jnp.float32),
        scratch_types=[
            pltpu.VMEM((_NUM_GROUPS,), jnp.int32),
            pltpu.VMEM((16, _FEAT), jnp.float32),
            pltpu.SemaphoreType.DMA,
        ],
    )(_sc_gather)
    starts = ind_group[:, 0].astype(jnp.int32)
    lhs512 = sc_call(grouped_left, starts)
    return pl.pallas_call(
        _tc_matmul,
        in_specs=[
            pl.BlockSpec(memory_space=pltpu.VMEM),
            pl.BlockSpec(memory_space=pltpu.VMEM),
        ],
        out_specs=pl.BlockSpec(memory_space=pltpu.VMEM),
        out_shape=jax.ShapeDtypeStruct((_OUT_ROWS, _FEAT), jnp.float32),
    )(lhs512, right)

# --- scband reference (transcript-rebuilt; emitter-appended) ---
"""Pipeline reference for scband-model-59313498358176 (READ-ONLY COPY).

The authoritative reference and input builder live on the scoring server;
editing this copy changes nothing except your own understanding.
"""

import jax, jax.numpy as jnp
import numpy as np
from jax import lax


def setup_inputs(seed: int = 0) -> dict:
    key = jax.random.key(seed)
    k1, k2 = jax.random.split(key)
    # ragged pool of token features: total_tokens=32768 (batch=16, max_seqlen=4096, ~half full)
    grouped_left = jax.random.normal(k1, (32768, 128), dtype=jnp.float32)
    # one right-hand projection matrix per group
    right = jax.random.normal(k2, (16, 128, 128), dtype=jnp.float32)
    # harness 'arange' fill: values 0..31 reshaped to (16, 2) -> rows are (start, count) pairs
    ind_group = jnp.asarray(np.arange(16 * 2).reshape(16, 2))
    return {"grouped_left": grouped_left, "right": right, "ind_group": ind_group}


def reference(grouped_left, right, ind_group):
    """Faithful JAX port of Render.gmm: grouped (ragged) matrix multiplication.

    For each group ind with (ind_start, cnt) taken from ind_group, slice
    grouped_left[ind_start:ind_start+cnt] and multiply by right[ind], then
    concatenate all group outputs along dim 0.
    """
    num_groups = ind_group.shape[0]
    feat = grouped_left.shape[1]
    result = []
    for ind in range(num_groups):
        ind_start = ind_group[ind, 0]
        cnt = 2 * ind + 1
        mat_left = lax.dynamic_slice(
            grouped_left,
            (ind_start, jnp.zeros((), dtype=ind_start.dtype)),
            (cnt, feat),
        )
        mat_right = right[ind]
        mat_out = mat_left @ mat_right
        result.append(mat_out)
    return jnp.concatenate(result, axis=0)

if __name__ == "__main__":
    import jax
    _d = setup_inputs()
    print(jax.jit(kernel)(*tuple(_d.values())))

</pallas_src>

<mosaic_0001>
#map = affine_map<(d0, d1) -> (0, 0)>
#map1 = affine_map<(d0, d1) -> (0)>
module attributes {stable_mosaic.version = 14 : i64} {
  func.func @_sc_gather(%arg0: i32, %arg1: i32, %arg2: memref<32768x128xf32, #tpu.memory_space<hbm>>, %arg3: memref<16xi32, #tpu.memory_space<hbm>>, %arg4: memref<512x128xf32, #tpu.memory_space<hbm>>, %arg5: memref<16xi32, #tpu.memory_space<vmem>>, %arg6: memref<16x128xf32, #tpu.memory_space<vmem>>, %arg7: memref<!tpu.dma_semaphore, #tpu.memory_space<semaphore_mem>>) attributes {dimension_semantics = [#tpu.dimension_semantics<core_parallel>, #tpu.dimension_semantics<subcore_parallel>], iteration_bounds = array<i64: 2, 16>, scalar_prefetch = 0 : i64, scratch_operands = 3 : i64, tpu.core_type = #tpu.core_type<sc_vector_subcore>, window_params = [{transform_indices = #map}, {transform_indices = #map1}, {transform_indices = #map}]} {
    %mul3A = arith.constant 2 : i32
    %mul3A_0 = arith.muli %arg1, %mul3A : i32
    %add3A = arith.addi %mul3A_0, %arg0 : i32
    %jit3A = arith.constant 2 : i32
    %div3A = arith.divsi %add3A, %jit3A : i32
    %sign3A = arith.constant 0 : i32
    %sign3A_1 = arith.cmpi sgt, %add3A, %sign3A : i32
    %sign3A_2 = arith.extui %sign3A_1 : i1 to i32
    %sign3A_3 = arith.constant 0 : i32
    %sign3A_4 = arith.cmpi slt, %add3A, %sign3A_3 : i32
    %sign3A_5 = arith.extui %sign3A_4 : i1 to i32
    %sign3A_6 = arith.subi %sign3A_2, %sign3A_5 : i32
    %sign3A_7 = arith.constant 0 : i32
    %sign3A_8 = arith.cmpi sgt, %jit3A, %sign3A_7 : i32
    %sign3A_9 = arith.extui %sign3A_8 : i1 to i32
    %sign3A_10 = arith.constant 0 : i32
    %sign3A_11 = arith.cmpi slt, %jit3A, %sign3A_10 : i32
    %sign3A_12 = arith.extui %sign3A_11 : i1 to i32
    %sign3A_13 = arith.subi %sign3A_9, %sign3A_12 : i32
    %ne3A = arith.cmpi ne, %sign3A_6, %sign3A_13 : i32
    %rem3A = arith.remsi %add3A, %jit3A : i32
    %ne3A_14 = arith.constant 0 : i32
    %ne3A_15 = arith.cmpi ne, %rem3A, %ne3A_14 : i32
    %and3A = arith.andi %ne3A, %ne3A_15 : i1
    %sub3A = arith.constant 1 : i32
    %sub3A_16 = arith.subi %div3A, %sub3A : i32
    %select_n3A = arith.select %and3A, %sub3A_16, %div3A : i32
    %jit3A_17 = arith.constant 2 : i32
    %eq3A = arith.constant 0 : i32
    %eq3A_18 = arith.cmpi eq, %jit3A_17, %eq3A : i32
    %jit3A_19 = arith.constant 1 : i32
    %select_n3A_20 = arith.select %eq3A_18, %jit3A_19, %jit3A_17 : i32
    %rem3A_21 = arith.remsi %add3A, %select_n3A_20 : i32
    %ne3A_22 = arith.constant 0 : i32
    %ne3A_23 = arith.cmpi ne, %rem3A_21, %ne3A_22 : i32
    %lt3A = arith.constant 0 : i32
    %lt3A_24 = arith.cmpi slt, %rem3A_21, %lt3A : i32
    %lt3A_25 = arith.constant 0 : i32
    %lt3A_26 = arith.cmpi slt, %select_n3A_20, %lt3A_25 : i32
    %ne3A_27 = arith.xori %lt3A_24, %lt3A_26 : i1
    %and3A_28 = arith.andi %ne3A_27, %ne3A_23 : i1
    %add3A_29 = arith.addi %rem3A_21, %select_n3A_20 : i32
    %select_n3A_30 = arith.select %and3A_28, %add3A_29, %rem3A_21 : i32
    "tpu.region"() ({
      %run_scoped3A = tpu.sem_alloc : memref<!tpu.dma_semaphore, #tpu.memory_space<semaphore_mem>>
      tpu.enqueue_dma source(%arg3 : memref<16xi32, #tpu.memory_space<hbm>>) target(%arg5 : memref<16xi32, #tpu.memory_space<vmem>>) target_semaphore(%run_scoped3A : memref<!tpu.dma_semaphore, #tpu.memory_space<semaphore_mem>>)
      tpu.wait_dma2 semaphore(%run_scoped3A : memref<!tpu.dma_semaphore, #tpu.memory_space<semaphore_mem>>) src(%arg3 : memref<16xi32, #tpu.memory_space<hbm>>) dst(%arg5 : memref<16xi32, #tpu.memory_space<vmem>>)
      tpu.yield
    }) : () -> ()
    %get3A = arith.constant 0 : index
    %get3A_31 = tpu.vector_load %arg5[%get3A] {strides = array<i32>} : memref<16xi32, #tpu.memory_space<vmem>>, vector<16xi32>,
    %get3A_32 = vector.shape_cast %get3A_31 : vector<16xi32> to vector<16xi32>
    %broadcast_in_dim3A = vector.broadcast %select_n3A : i32 to vector<16xi32>
    %broadcast_in_dim3A_33 = vector.shape_cast %broadcast_in_dim3A : vector<16xi32> to vector<16x1xi32>
    %gather3A = vector.shape_cast %broadcast_in_dim3A_33 : vector<16x1xi32> to vector<16xi32>
    %gather3A_34 = tpu.dynamic_gather %get3A_32[%gather3A] in [0] : vector<16xi32>, vector<16xi32> -> vector<16xi32>
    %mul3A_35 = arith.constant 16 : i32
    %mul3A_36 = arith.muli %select_n3A_30, %mul3A_35 : i32
    %add3A_37 = vector.broadcast %mul3A_36 : i32 to vector<16xi32>
    %add3A_38 = arith.addi %gather3A_34, %add3A_37 : vector<16xi32>
    %iota3A = tpu.iota {dimensions = array<i32: 0>} : vector<16xi32>
    %add3A_39 = arith.addi %add3A_38, %iota3A : vector<16xi32>
    %dma_start3A = arith.constant 0 : i32
    %dma_start3A_40 = arith.constant 0 : i32
    %dma_start3A_41 = tpu.memref_slice %arg2[%dma_start3A, %dma_start3A_40] : memref<32768x128xf32, #tpu.memory_space<hbm>> -> memref<32768x128xf32, #tpu.memory_space<hbm>>
    tpu.enqueue_indirect_dma source(%dma_start3A_41 : memref<32768x128xf32, #tpu.memory_space<hbm>>) target(%arg6 : memref<16x128xf32, #tpu.memory_space<vmem>>) offsets(%add3A_39 : vector<16xi32>) semaphore(%arg7 : memref<!tpu.dma_semaphore, #tpu.memory_space<semaphore_mem>>)
    %dma_wait3A = arith.constant 0 : i32
    %dma_wait3A_42 = arith.constant 0 : i32
    %dma_wait3A_43 = tpu.memref_slice %arg2[%dma_wait3A, %dma_wait3A_42] : memref<32768x128xf32, #tpu.memory_space<hbm>> -> memref<32768x128xf32, #tpu.memory_space<hbm>>
    tpu.wait_indirect_dma semaphore(%arg7 : memref<!tpu.dma_semaphore, #tpu.memory_space<semaphore_mem>>) src(%dma_wait3A_43 : memref<32768x128xf32, #tpu.memory_space<hbm>>) dst(%arg6 : memref<16x128xf32, #tpu.memory_space<vmem>>)
    %mul3A_44 = arith.constant 16 : i32
    %mul3A_45 = arith.muli %add3A, %mul3A_44 : i32
    "tpu.region"() ({
      %run_scoped3A = tpu.sem_alloc : memref<!tpu.dma_semaphore, #tpu.memory_space<semaphore_mem>>
      %dma_start3A_46 = arith.constant 0 : i32
      %dma_start3A_47 = tpu.memref_slice %arg4[%mul3A_45, %dma_start3A_46] : memref<512x128xf32, #tpu.memory_space<hbm>> -> memref<16x128xf32, #tpu.memory_space<hbm>>
      %dma_start3A_48 = arith.constant 0 : i32
      %dma_start3A_49 = tpu.memref_slice %arg4[%mul3A_45, %dma_start3A_48] : memref<512x128xf32, #tpu.memory_space<hbm>> -> memref<16x128xf32, #tpu.memory_space<hbm>>
      tpu.enqueue_dma source(%arg6 : memref<16x128xf32, #tpu.memory_space<vmem>>) target(%dma_start3A_49 : memref<16x128xf32, #tpu.memory_space<hbm>>) target_semaphore(%run_scoped3A : memref<!tpu.dma_semaphore, #tpu.memory_space<semaphore_mem>>)
      %dma_wait3A_50 = arith.constant 0 : i32
      %dma_wait3A_51 = tpu.memref_slice %arg4[%mul3A_45, %dma_wait3A_50] : memref<512x128xf32, #tpu.memory_space<hbm>> -> memref<16x128xf32, #tpu.memory_space<hbm>>
      %dma_wait3A_52 = arith.constant 0 : i32
      %dma_wait3A_53 = tpu.memref_slice %arg4[%mul3A_45, %dma_wait3A_52] : memref<512x128xf32, #tpu.memory_space<hbm>> -> memref<16x128xf32, #tpu.memory_space<hbm>>
      tpu.wait_dma2 semaphore(%run_scoped3A : memref<!tpu.dma_semaphore, #tpu.memory_space<semaphore_mem>>) src(%arg6 : memref<16x128xf32, #tpu.memory_space<vmem>>) dst(%dma_wait3A_53 : memref<16x128xf32, #tpu.memory_space<hbm>>)
      tpu.yield
    }) : () -> ()
    return
  }
}

module attributes {stable_mosaic.version = 14 : i64} {
  func.func @_tc_matmul(%arg0: memref<512x128xf32, #tpu.memory_space<vmem>>, %arg1: memref<16x128x128xf32, #tpu.memory_space<vmem>>, %arg2: memref<256x128xf32, #tpu.memory_space<vmem>>) attributes {dimension_semantics = [], scalar_prefetch = 0 : i64, scratch_operands = 0 : i64, tpu.core_type = #tpu.core_type<tc>} {
    %get3A = arith.constant 0 : index
    %get3A_0 = arith.constant 0 : index
    %get3A_1 = vector.load %arg0[%get3A, %get3A_0] : memref<512x128xf32, #tpu.memory_space<vmem>>, vector<32x128xf32>
    %get3A_2 = arith.constant 0 : index
    %get3A_3 = arith.constant 0 : index
    %get3A_4 = arith.constant 0 : index
    %get3A_5 = vector.load %arg1[%get3A_2, %get3A_3, %get3A_4] : memref<16x128x128xf32, #tpu.memory_space<vmem>>, vector<1x128x128xf32>
    %get3A_6 = vector.shape_cast %get3A_5 : vector<1x128x128xf32> to vector<128x128xf32>
    %dot_general3A = arith.constant dense<0.000000e+00> : vector<32x128xf32>
    %dot_general3A_7 = tpu.matmul %get3A_1, %get3A_6, %dot_general3A {dimension_numbers = #tpu.dot_dimension_numbers<[1], [0], [0], [1], [0, 0, 1, 1], [], []>, transpose_lhs_hint = false} : vector<32x128xf32>, vector<128x128xf32>, vector<32x128xf32> -> vector<32x128xf32>
    %slice3A = vector.extract_strided_slice %dot_general3A_7 {offsets = [0, 0], sizes = [1, 128], strides = [1, 1]} : vector<32x128xf32> to vector<1x128xf32>
    %swap3A = arith.constant 0 : index
    %swap3A_8 = arith.constant 0 : index
    %swap3A_9 = vector.load %arg2[%swap3A, %swap3A_8] : memref<256x128xf32, #tpu.memory_space<vmem>>, vector<1x128xf32>
    tpu.vector_store %arg2[%swap3A, %swap3A_8], %slice3A {strides = array<i32>} : memref<256x128xf32, #tpu.memory_space<vmem>>, vector<1x128xf32>,
    %get3A_10 = arith.constant 32 : index
    %get3A_11 = arith.constant 0 : index
    %get3A_12 = vector.load %arg0[%get3A_10, %get3A_11] : memref<512x128xf32, #tpu.memory_space<vmem>>, vector<32x128xf32>
    %get3A_13 = arith.constant 1 : index
    %get3A_14 = arith.constant 0 : index
    %get3A_15 = arith.constant 0 : index
    %get3A_16 = vector.load %arg1[%get3A_13, %get3A_14, %get3A_15] : memref<16x128x128xf32, #tpu.memory_space<vmem>>, vector<1x128x128xf32>
    %get3A_17 = vector.shape_cast %get3A_16 : vector<1x128x128xf32> to vector<128x128xf32>
    %dot_general3A_18 = arith.constant dense<0.000000e+00> : vector<32x128xf32>
    %dot_general3A_19 = tpu.matmul %get3A_12, %get3A_17, %dot_general3A_18 {dimension_numbers = #tpu.dot_dimension_numbers<[1], [0], [0], [1], [0, 0, 1, 1], [], []>, transpose_lhs_hint = false} : vector<32x128xf32>, vector<128x128xf32>, vector<32x128xf32> -> vector<32x128xf32>
    %slice3A_20 = vector.extract_strided_slice %dot_general3A_19 {offsets = [0, 0], sizes = [3, 128], strides = [1, 1]} : vector<32x128xf32> to vector<3x128xf32>
    %swap3A_21 = arith.constant 1 : index
    %swap3A_22 = arith.constant 0 : index
    %swap3A_23 = vector.load %arg2[%swap3A_21, %swap3A_22] : memref<256x128xf32, #tpu.memory_space<vmem>>, vector<3x128xf32>
    tpu.vector_store %arg2[%swap3A_21, %swap3A_22], %slice3A_20 {strides = array<i32>} : memref<256x128xf32, #tpu.memory_space<vmem>>, vector<3x128xf32>,
    %get3A_24 = arith.constant 64 : index
    %get3A_25 = arith.constant 0 : index
    %get3A_26 = vector.load %arg0[%get3A_24, %get3A_25] : memref<512x128xf32, #tpu.memory_space<vmem>>, vector<32x128xf32>
    %get3A_27 = arith.constant 2 : index
    %get3A_28 = arith.constant 0 : index
    %get3A_29 = arith.constant 0 : index
    %get3A_30 = vector.load %arg1[%get3A_27, %get3A_28, %get3A_29] : memref<16x128x128xf32, #tpu.memory_space<vmem>>, vector<1x128x128xf32>
    %get3A_31 = vector.shape_cast %get3A_30 : vector<1x128x128xf32> to vector<128x128xf32>
    %dot_general3A_32 = arith.constant dense<0.000000e+00> : vector<32x128xf32>
    %dot_general3A_33 = tpu.matmul %get3A_26, %get3A_31, %dot_general3A_32 {dimension_numbers = #tpu.dot_dimension_numbers<[1], [0], [0], [1], [0, 0, 1, 1], [], []>, transpose_lhs_hint = false} : vector<32x128xf32>, vector<128x128xf32>, vector<32x128xf32> -> vector<32x128xf32>
    %slice3A_34 = vector.extract_strided_slice %dot_general3A_33 {offsets = [0, 0], sizes = [5, 128], strides = [1, 1]} : vector<32x128xf32> to vector<5x128xf32>
    %swap3A_35 = arith.constant 4 : index
    %swap3A_36 = arith.constant 0 : index
    %swap3A_37 = vector.load %arg2[%swap3A_35, %swap3A_36] : memref<256x128xf32, #tpu.memory_space<vmem>>, vector<5x128xf32>
    tpu.vector_store %arg2[%swap3A_35, %swap3A_36], %slice3A_34 {strides = array<i32>} : memref<256x128xf32, #tpu.memory_space<vmem>>, vector<5x128xf32>,
    %get3A_38 = arith.constant 96 : index
    %get3A_39 = arith.constant 0 : index
    %get3A_40 = vector.load %arg0[%get3A_38, %get3A_39] : memref<512x128xf32, #tpu.memory_space<vmem>>, vector<32x128xf32>
    %get3A_41 = arith.constant 3 : index
    %get3A_42 = arith.constant 0 : index
    %get3A_43 = arith.constant 0 : index
    %get3A_44 = vector.load %arg1[%get3A_41, %get3A_42, %get3A_43] : memref<16x128x128xf32, #tpu.memory_space<vmem>>, vector<1x128x128xf32>
    %get3A_45 = vector.shape_cast %get3A_44 : vector<1x128x128xf32> to vector<128x128xf32>
    %dot_general3A_46 = arith.constant dense<0.000000e+00> : vector<32x128xf32>
    %dot_general3A_47 = tpu.matmul %get3A_40, %get3A_45, %dot_general3A_46 {dimension_numbers = #tpu.dot_dimension_numbers<[1], [0], [0], [1], [0, 0, 1, 1], [], []>, transpose_lhs_hint = false} : vector<32x128xf32>, vector<128x128xf32>, vector<32x128xf32> -> vector<32x128xf32>
    %slice3A_48 = vector.extract_strided_slice %dot_general3A_47 {offsets = [0, 0], sizes = [7, 128], strides = [1, 1]} : vector<32x128xf32> to vector<7x128xf32>
    %swap3A_49 = arith.constant 9 : index
    %swap3A_50 = arith.constant 0 : index
    %swap3A_51 = vector.load %arg2[%swap3A_49, %swap3A_50] : memref<256x128xf32, #tpu.memory_space<vmem>>, vector<7x128xf32>
    tpu.vector_store %arg2[%swap3A_49, %swap3A_50], %slice3A_48 {strides = array<i32>} : memref<256x128xf32, #tpu.memory_space<vmem>>, vector<7x128xf32>,
    %get3A_52 = arith.constant 128 : index
    %get3A_53 = arith.constant 0 : index
    %get3A_54 = vector.load %arg0[%get3A_52, %get3A_53] : memref<512x128xf32, #tpu.memory_space<vmem>>, vector<32x128xf32>
    %get3A_55 = arith.constant 4 : index
    %get3A_56 = arith.constant 0 : index
    %get3A_57 = arith.constant 0 : index
    %get3A_58 = vector.load %arg1[%get3A_55, %get3A_56, %get3A_57] : memref<16x128x128xf32, #tpu.memory_space<vmem>>, vector<1x128x128xf32>
    %get3A_59 = vector.shape_cast %get3A_58 : vector<1x128x128xf32> to vector<128x128xf32>
    %dot_general3A_60 = arith.constant dense<0.000000e+00> : vector<32x128xf32>
    %dot_general3A_61 = tpu.matmul %get3A_54, %get3A_59, %dot_general3A_60 {dimension_numbers = #tpu.dot_dimension_numbers<[1], [0], [0], [1], [0, 0, 1, 1], [], []>, transpose_lhs_hint = false} : vector<32x128xf32>, vector<128x128xf32>, vector<32x128xf32> -> vector<32x128xf32>
    %slice3A_62 = vector.extract_strided_slice %dot_general3A_61 {offsets = [0, 0], sizes = [9, 128], strides = [1, 1]} : vector<32x128xf32> to vector<9x128xf32>
    %swap3A_63 = arith.constant 16 : index
    %swap3A_64 = arith.constant 0 : index
    %swap3A_65 = vector.load %arg2[%swap3A_63, %swap3A_64] : memref<256x128xf32, #tpu.memory_space<vmem>>, vector<9x128xf32>
    tpu.vector_store %arg2[%swap3A_63, %swap3A_64], %slice3A_62 {strides = array<i32>} : memref<256x128xf32, #tpu.memory_space<vmem>>, vector<9x128xf32>,
    %get3A_66 = arith.constant 160 : index
    %get3A_67 = arith.constant 0 : index
    %get3A_68 = vector.load %arg0[%get3A_66, %get3A_67] : memref<512x128xf32, #tpu.memory_space<vmem>>, vector<32x128xf32>
    %get3A_69 = arith.constant 5 : index
    %get3A_70 = arith.constant 0 : index
    %get3A_71 = arith.constant 0 : index
    %get3A_72 = vector.load %arg1[%get3A_69, %get3A_70, %get3A_71] : memref<16x128x128xf32, #tpu.memory_space<vmem>>, vector<1x128x128xf32>
    %get3A_73 = vector.shape_cast %get3A_72 : vector<1x128x128xf32> to vector<128x128xf32>
    %dot_general3A_74 = arith.constant dense<0.000000e+00> : vector<32x128xf32>
    %dot_general3A_75 = tpu.matmul %get3A_68, %get3A_73, %dot_general3A_74 {dimension_numbers = #tpu.dot_dimension_numbers<[1], [0], [0], [1], [0, 0, 1, 1], [], []>, transpose_lhs_hint = false} : vector<32x128xf32>, vector<128x128xf32>, vector<32x128xf32> -> vector<32x128xf32>
    %slice3A_76 = vector.extract_strided_slice %dot_general3A_75 {offsets = [0, 0], sizes = [11, 128], strides = [1, 1]} : vector<32x128xf32> to vector<11x128xf32>
    %swap3A_77 = arith.constant 25 : index
    %swap3A_78 = arith.constant 0 : index
    %swap3A_79 = vector.load %arg2[%swap3A_77, %swap3A_78] : memref<256x128xf32, #tpu.memory_space<vmem>>, vector<11x128xf32>
    tpu.vector_store %arg2[%swap3A_77, %swap3A_78], %slice3A_76 {strides = array<i32>} : memref<256x128xf32, #tpu.memory_space<vmem>>, vector<11x128xf32>,
    %get3A_80 = arith.constant 192 : index
    %get3A_81 = arith.constant 0 : index
    %get3A_82 = vector.load %arg0[%get3A_80, %get3A_81] : memref<512x128xf32, #tpu.memory_space<vmem>>, vector<32x128xf32>
    %get3A_83 = arith.constant 6 : index
    %get3A_84 = arith.constant 0 : index
    %get3A_85 = arith.constant 0 : index
    %get3A_86 = vector.load %arg1[%get3A_83, %get3A_84, %get3A_85] : memref<16x128x128xf32, #tpu.memory_space<vmem>>, vector<1x128x128xf32>
    %get3A_87 = vector.shape_cast %get3A_86 : vector<1x128x128xf32> to vector<128x128xf32>
    %dot_general3A_88 = arith.constant dense<0.000000e+00> : vector<32x128xf32>
    %dot_general3A_89 = tpu.matmul %get3A_82, %get3A_87, %dot_general3A_88 {dimension_numbers = #tpu.dot_dimension_numbers<[1], [0], [0], [1], [0, 0, 1, 1], [], []>, transpose_lhs_hint = false} : vector<32x128xf32>, vector<128x128xf32>, vector<32x128xf32> -> vector<32x128xf32>
    %slice3A_90 = vector.extract_strided_slice %dot_general3A_89 {offsets = [0, 0], sizes = [13, 128], strides = [1, 1]} : vector<32x128xf32> to vector<13x128xf32>
    %swap3A_91 = arith.constant 36 : index
    %swap3A_92 = arith.constant 0 : index
    %swap3A_93 = vector.load %arg2[%swap3A_91, %swap3A_92] : memref<256x128xf32, #tpu.memory_space<vmem>>, vector<13x128xf32>
    tpu.vector_store %arg2[%swap3A_91, %swap3A_92], %slice3A_90 {strides = array<i32>} : memref<256x128xf32, #tpu.memory_space<vmem>>, vector<13x128xf32>,
    %get3A_94 = arith.constant 224 : index
    %get3A_95 = arith.constant 0 : index
    %get3A_96 = vector.load %arg0[%get3A_94, %get3A_95] : memref<512x128xf32, #tpu.memory_space<vmem>>, vector<32x128xf32>
    %get3A_97 = arith.constant 7 : index
    %get3A_98 = arith.constant 0 : index
    %get3A_99 = arith.constant 0 : index
    %get3A_100 = vector.load %arg1[%get3A_97, %get3A_98, %get3A_99] : memref<16x128x128xf32, #tpu.memory_space<vmem>>, vector<1x128x128xf32>
    %get3A_101 = vector.shape_cast %get3A_100 : vector<1x128x128xf32> to vector<128x128xf32>
    %dot_general3A_102 = arith.constant dense<0.000000e+00> : vector<32x128xf32>
    %dot_general3A_103 = tpu.matmul %get3A_96, %get3A_101, %dot_general3A_102 {dimension_numbers = #tpu.dot_dimension_numbers<[1], [0], [0], [1], [0, 0, 1, 1], [], []>, transpose_lhs_hint = false} : vector<32x128xf32>, vector<128x128xf32>, vector<32x128xf32> -> vector<32x128xf32>
    %slice3A_104 = vector.extract_strided_slice %dot_general3A_103 {offsets = [0, 0], sizes = [15, 128], strides = [1, 1]} : vector<32x128xf32> to vector<15x128xf32>
    %swap3A_105 = arith.constant 49 : index
    %swap3A_106 = arith.constant 0 : index
    %swap3A_107 = vector.load %arg2[%swap3A_105, %swap3A_106] : memref<256x128xf32, #tpu.memory_space<vmem>>, vector<15x128xf32>
    tpu.vector_store %arg2[%swap3A_105, %swap3A_106], %slice3A_104 {strides = array<i32>} : memref<256x128xf32, #tpu.memory_space<vmem>>, vector<15x128xf32>,
    %get3A_108 = arith.constant 256 : index
    %get3A_109 = arith.constant 0 : index
    %get3A_110 = vector.load %arg0[%get3A_108, %get3A_109] : memref<512x128xf32, #tpu.memory_space<vmem>>, vector<32x128xf32>
    %get3A_111 = arith.constant 8 : index
    %get3A_112 = arith.constant 0 : index
    %get3A_113 = arith.constant 0 : index
    %get3A_114 = vector.load %arg1[%get3A_111, %get3A_112, %get3A_113] : memref<16x128x128xf32, #tpu.memory_space<vmem>>, vector<1x128x128xf32>
    %get3A_115 = vector.shape_cast %get3A_114 : vector<1x128x128xf32> to vector<128x128xf32>
    %dot_general3A_116 = arith.constant dense<0.000000e+00> : vector<32x128xf32>
    %dot_general3A_117 = tpu.matmul %get3A_110, %get3A_115, %dot_general3A_116 {dimension_numbers = #tpu.dot_dimension_numbers<[1], [0], [0], [1], [0, 0, 1, 1], [], []>, transpose_lhs_hint = false} : vector<32x128xf32>, vector<128x128xf32>, vector<32x128xf32> -> vector<32x128xf32>
    %slice3A_118 = vector.extract_strided_slice %dot_general3A_117 {offsets = [0, 0], sizes = [17, 128], strides = [1, 1]} : vector<32x128xf32> to vector<17x128xf32>
    %swap3A_119 = arith.constant 64 : index
    %swap3A_120 = arith.constant 0 : index
    %swap3A_121 = vector.load %arg2[%swap3A_119, %swap3A_120] : memref<256x128xf32, #tpu.memory_space<vmem>>, vector<17x128xf32>
    tpu.vector_store %arg2[%swap3A_119, %swap3A_120], %slice3A_118 {strides = array<i32>} : memref<256x128xf32, #tpu.memory_space<vmem>>, vector<17x128xf32>,
    %get3A_122 = arith.constant 288 : index
    %get3A_123 = arith.constant 0 : index
    %get3A_124 = vector.load %arg0[%get3A_122, %get3A_123] : memref<512x128xf32, #tpu.memory_space<vmem>>, vector<32x128xf32>
    %get3A_125 = arith.constant 9 : index
    %get3A_126 = arith.constant 0 : index
    %get3A_127 = arith.constant 0 : index
    %get3A_128 = vector.load %arg1[%get3A_125, %get3A_126, %get3A_127] : memref<16x128x128xf32, #tpu.memory_space<vmem>>, vector<1x128x128xf32>
    %get3A_129 = vector.shape_cast %get3A_128 : vector<1x128x128xf32> to vector<128x128xf32>
    %dot_general3A_130 = arith.constant dense<0.000000e+00> : vector<32x128xf32>
    %dot_general3A_131 = tpu.matmul %get3A_124, %get3A_129, %dot_general3A_130 {dimension_numbers = #tpu.dot_dimension_numbers<[1], [0], [0], [1], [0, 0, 1, 1], [], []>, transpose_lhs_hint = false} : vector<32x128xf32>, vector<128x128xf32>, vector<32x128xf32> -> vector<32x128xf32>
    %slice3A_132 = vector.extract_strided_slice %dot_general3A_131 {offsets = [0, 0], sizes = [19, 128], strides = [1, 1]} : vector<32x128xf32> to vector<19x128xf32>
    %swap3A_133 = arith.constant 81 : index
    %swap3A_134 = arith.constant 0 : index
    %swap3A_135 = vector.load %arg2[%swap3A_133, %swap3A_134] : memref<256x128xf32, #tpu.memory_space<vmem>>, vector<19x128xf32>
    tpu.vector_store %arg2[%swap3A_133, %swap3A_134], %slice3A_132 {strides = array<i32>} : memref<256x128xf32, #tpu.memory_space<vmem>>, vector<19x128xf32>,
    %get3A_136 = arith.constant 320 : index
    %get3A_137 = arith.constant 0 : index
    %get3A_138 = vector.load %arg0[%get3A_136, %get3A_137] : memref<512x128xf32, #tpu.memory_space<vmem>>, vector<32x128xf32>
    %get3A_139 = arith.constant 10 : index
    %get3A_140 = arith.constant 0 : index
    %get3A_141 = arith.constant 0 : index
    %get3A_142 = vector.load %arg1[%get3A_139, %get3A_140, %get3A_141] : memref<16x128x128xf32, #tpu.memory_space<vmem>>, vector<1x128x128xf32>
    %get3A_143 = vector.shape_cast %get3A_142 : vector<1x128x128xf32> to vector<128x128xf32>
    %dot_general3A_144 = arith.constant dense<0.000000e+00> : vector<32x128xf32>
    %dot_general3A_145 = tpu.matmul %get3A_138, %get3A_143, %dot_general3A_144 {dimension_numbers = #tpu.dot_dimension_numbers<[1], [0], [0], [1], [0, 0, 1, 1], [], []>, transpose_lhs_hint = false} : vector<32x128xf32>, vector<128x128xf32>, vector<32x128xf32> -> vector<32x128xf32>
    %slice3A_146 = vector.extract_strided_slice %dot_general3A_145 {offsets = [0, 0], sizes = [21, 128], strides = [1, 1]} : vector<32x128xf32> to vector<21x128xf32>
    %swap3A_147 = arith.constant 100 : index
    %swap3A_148 = arith.constant 0 : index
    %swap3A_149 = vector.load %arg2[%swap3A_147, %swap3A_148] : memref<256x128xf32, #tpu.memory_space<vmem>>, vector<21x128xf32>
    tpu.vector_store %arg2[%swap3A_147, %swap3A_148], %slice3A_146 {strides = array<i32>} : memref<256x128xf32, #tpu.memory_space<vmem>>, vector<21x128xf32>,
    %get3A_150 = arith.constant 352 : index
    %get3A_151 = arith.constant 0 : index
    %get3A_152 = vector.load %arg0[%get3A_150, %get3A_151] : memref<512x128xf32, #tpu.memory_space<vmem>>, vector<32x128xf32>
    %get3A_153 = arith.constant 11 : index
    %get3A_154 = arith.constant 0 : index
    %get3A_155 = arith.constant 0 : index
    %get3A_156 = vector.load %arg1[%get3A_153, %get3A_154, %get3A_155] : memref<16x128x128xf32, #tpu.memory_space<vmem>>, vector<1x128x128xf32>
    %get3A_157 = vector.shape_cast %get3A_156 : vector<1x128x128xf32> to vector<128x128xf32>
    %dot_general3A_158 = arith.constant dense<0.000000e+00> : vector<32x128xf32>
    %dot_general3A_159 = tpu.matmul %get3A_152, %get3A_157, %dot_general3A_158 {dimension_numbers = #tpu.dot_dimension_numbers<[1], [0], [0], [1], [0, 0, 1, 1], [], []>, transpose_lhs_hint = false} : vector<32x128xf32>, vector<128x128xf32>, vector<32x128xf32> -> vector<32x128xf32>
    %slice3A_160 = vector.extract_strided_slice %dot_general3A_159 {offsets = [0, 0], sizes = [23, 128], strides = [1, 1]} : vector<32x128xf32> to vector<23x128xf32>
    %swap3A_161 = arith.constant 121 : index
    %swap3A_162 = arith.constant 0 : index
    %swap3A_163 = vector.load %arg2[%swap3A_161, %swap3A_162] : memref<256x128xf32, #tpu.memory_space<vmem>>, vector<23x128xf32>
    tpu.vector_store %arg2[%swap3A_161, %swap3A_162], %slice3A_160 {strides = array<i32>} : memref<256x128xf32, #tpu.memory_space<vmem>>, vector<23x128xf32>,
    %get3A_164 = arith.constant 384 : index
    %get3A_165 = arith.constant 0 : index
    %get3A_166 = vector.load %arg0[%get3A_164, %get3A_165] : memref<512x128xf32, #tpu.memory_space<vmem>>, vector<32x128xf32>
    %get3A_167 = arith.constant 12 : index
    %get3A_168 = arith.constant 0 : index
    %get3A_169 = arith.constant 0 : index
    %get3A_170 = vector.load %arg1[%get3A_167, %get3A_168, %get3A_169] : memref<16x128x128xf32, #tpu.memory_space<vmem>>, vector<1x128x128xf32>
    %get3A_171 = vector.shape_cast %get3A_170 : vector<1x128x128xf32> to vector<128x128xf32>
    %dot_general3A_172 = arith.constant dense<0.000000e+00> : vector<32x128xf32>
    %dot_general3A_173 = tpu.matmul %get3A_166, %get3A_171, %dot_general3A_172 {dimension_numbers = #tpu.dot_dimension_numbers<[1], [0], [0], [1], [0, 0, 1, 1], [], []>, transpose_lhs_hint = false} : vector<32x128xf32>, vector<128x128xf32>, vector<32x128xf32> -> vector<32x128xf32>
    %slice3A_174 = vector.extract_strided_slice %dot_general3A_173 {offsets = [0, 0], sizes = [25, 128], strides = [1, 1]} : vector<32x128xf32> to vector<25x128xf32>
    %swap3A_175 = arith.constant 144 : index
    %swap3A_176 = arith.constant 0 : index
    %swap3A_177 = vector.load %arg2[%swap3A_175, %swap3A_176] : memref<256x128xf32, #tpu.memory_space<vmem>>, vector<25x128xf32>
    tpu.vector_store %arg2[%swap3A_175, %swap3A_176], %slice3A_174 {strides = array<i32>} : memref<256x128xf32, #tpu.memory_space<vmem>>, vector<25x128xf32>,
    %get3A_178 = arith.constant 416 : index
    %get3A_179 = arith.constant 0 : index
    %get3A_180 = vector.load %arg0[%get3A_178, %get3A_179] : memref<512x128xf32, #tpu.memory_space<vmem>>, vector<32x128xf32>
    %get3A_181 = arith.constant 13 : index
    %get3A_182 = arith.constant 0 : index
    %get3A_183 = arith.constant 0 : index
    %get3A_184 = vector.load %arg1[%get3A_181, %get3A_182, %get3A_183] : memref<16x128x128xf32, #tpu.memory_space<vmem>>, vector<1x128x128xf32>
    %get3A_185 = vector.shape_cast %get3A_184 : vector<1x128x128xf32> to vector<128x128xf32>
    %dot_general3A_186 = arith.constant dense<0.000000e+00> : vector<32x128xf32>
    %dot_general3A_187 = tpu.matmul %get3A_180, %get3A_185, %dot_general3A_186 {dimension_numbers = #tpu.dot_dimension_numbers<[1], [0], [0], [1], [0, 0, 1, 1], [], []>, transpose_lhs_hint = false} : vector<32x128xf32>, vector<128x128xf32>, vector<32x128xf32> -> vector<32x128xf32>
    %slice3A_188 = vector.extract_strided_slice %dot_general3A_187 {offsets = [0, 0], sizes = [27, 128], strides = [1, 1]} : vector<32x128xf32> to vector<27x128xf32>
    %swap3A_189 = arith.constant 169 : index
    %swap3A_190 = arith.constant 0 : index
    %swap3A_191 = vector.load %arg2[%swap3A_189, %swap3A_190] : memref<256x128xf32, #tpu.memory_space<vmem>>, vector<27x128xf32>
    tpu.vector_store %arg2[%swap3A_189, %swap3A_190], %slice3A_188 {strides = array<i32>} : memref<256x128xf32, #tpu.memory_space<vmem>>, vector<27x128xf32>,
    %get3A_192 = arith.constant 448 : index
    %get3A_193 = arith.constant 0 : index
    %get3A_194 = vector.load %arg0[%get3A_192, %get3A_193] : memref<512x128xf32, #tpu.memory_space<vmem>>, vector<32x128xf32>
    %get3A_195 = arith.constant 14 : index
    %get3A_196 = arith.constant 0 : index
    %get3A_197 = arith.constant 0 : index
    %get3A_198 = vector.load %arg1[%get3A_195, %get3A_196, %get3A_197] : memref<16x128x128xf32, #tpu.memory_space<vmem>>, vector<1x128x128xf32>
    %get3A_199 = vector.shape_cast %get3A_198 : vector<1x128x128xf32> to vector<128x128xf32>
    %dot_general3A_200 = arith.constant dense<0.000000e+00> : vector<32x128xf32>
    %dot_general3A_201 = tpu.matmul %get3A_194, %get3A_199, %dot_general3A_200 {dimension_numbers = #tpu.dot_dimension_numbers<[1], [0], [0], [1], [0, 0, 1, 1], [], []>, transpose_lhs_hint = false} : vector<32x128xf32>, vector<128x128xf32>, vector<32x128xf32> -> vector<32x128xf32>
    %slice3A_202 = vector.extract_strided_slice %dot_general3A_201 {offsets = [0, 0], sizes = [29, 128], strides = [1, 1]} : vector<32x128xf32> to vector<29x128xf32>
    %swap3A_203 = arith.constant 196 : index
    %swap3A_204 = arith.constant 0 : index
    %swap3A_205 = vector.load %arg2[%swap3A_203, %swap3A_204] : memref<256x128xf32, #tpu.memory_space<vmem>>, vector<29x128xf32>
    tpu.vector_store %arg2[%swap3A_203, %swap3A_204], %slice3A_202 {strides = array<i32>} : memref<256x128xf32, #tpu.memory_space<vmem>>, vector<29x128xf32>,
    %get3A_206 = arith.constant 480 : index
    %get3A_207 = arith.constant 0 : index
    %get3A_208 = vector.load %arg0[%get3A_206, %get3A_207] : memref<512x128xf32, #tpu.memory_space<vmem>>, vector<32x128xf32>
    %get3A_209 = arith.constant 15 : index
    %get3A_210 = arith.constant 0 : index
    %get3A_211 = arith.constant 0 : index
    %get3A_212 = vector.load %arg1[%get3A_209, %get3A_210, %get3A_211] : memref<16x128x128xf32, #tpu.memory_space<vmem>>, vector<1x128x128xf32>
    %get3A_213 = vector.shape_cast %get3A_212 : vector<1x128x128xf32> to vector<128x128xf32>
    %dot_general3A_214 = arith.constant dense<0.000000e+00> : vector<32x128xf32>
    %dot_general3A_215 = tpu.matmul %get3A_208, %get3A_213, %dot_general3A_214 {dimension_numbers = #tpu.dot_dimension_numbers<[1], [0], [0], [1], [0, 0, 1, 1], [], []>, transpose_lhs_hint = false} : vector<32x128xf32>, vector<128x128xf32>, vector<32x128xf32> -> vector<32x128xf32>
    %slice3A_216 = vector.extract_strided_slice %dot_general3A_215 {offsets = [0, 0], sizes = [31, 128], strides = [1, 1]} : vector<32x128xf32> to vector<31x128xf32>
    %swap3A_217 = arith.constant 225 : index
    %swap3A_218 = arith.constant 0 : index
    %swap3A_219 = vector.load %arg2[%swap3A_217, %swap3A_218] : memref<256x128xf32, #tpu.memory_space<vmem>>, vector<31x128xf32>
    tpu.vector_store %arg2[%swap3A_217, %swap3A_218], %slice3A_216 {strides = array<i32>} : memref<256x128xf32, #tpu.memory_space<vmem>>, vector<31x128xf32>,
    return
  }
}

</mosaic_0001>

<sc_bundles>
// kernel: kernel.4.cloned.1.call-start
scs
__scs_entry_jumppad:
0x0: {  	(pc) =	sbr.rel $0x88, $3  }
0x1: {  	(tag) =	ssettag $0x0;
	lr =	simm.s32 $0x1  }
0x2: {  	[smem:$0x3F9E] =	sst lr;
	_ =	strace $0xD0000000  }
0x3: {  	_ = 	snop  }
0x4: {  	_ = 	snop  }
0x5: {  	_ = 	snop  }
0x6: {  	_ = 	snop  }
0x7: {  	_ = 	snop  }
__scs_overlays_trampoline_lowered:
0x8: {  	[smem:$0x3FAD] =	sst s0  }
0x9: {  	[smem:$0x3FAE] =	sst s1  }
0xa: {  	[smem:$0x3FAF] =	sst s2  }
0xb: {  	[smem:$0x3FB0] =	sst s3  }
0xc: {  	[smem:$0x3FB1] =	sst s4  }
0xd: {  	[smem:$0x3FB2] =	sst s5  }
0xe: {  	[smem:$0x3FB3] =	sst s6  }
0xf: {  	[smem:$0x3FB4] =	sst s7  }
0x10: {  	[smem:$0x3FB5] =	sst s8  }
0x11: {  	[smem:$0x3FB6] =	sst s9;
	s0 =	simm.s32 @!p0 $0x0  }
0x12: {  	s1 =	sld [smem:$0x3F9C];
	s0 =	simm.s32 @p0 $0x1  }
0x13: {  	[smem:$0x3FB7] =	sst s0;
	s0 =	simm.s32 @!p1 $0x0  }
0x14: {  	s2 =	sld [smem:$0x3F9B];
	s0 =	simm.s32 @p1 $0x1  }
0x15: {  	[smem:$0x3FB8] =	sst s0;
	s0 =	simm.s32 @!p2 $0x0  }
0x16: {  	s3 =	sld [smem:$0x3FDB];
	s0 =	simm.s32 @p2 $0x1  }
0x17: {  	s4 =	simm.s32 $0x1BF5;
	[smem:$0x3FBA] =	sst s0  }
0x18: {  	s0 =	sld [smem:$0x3F9D];
	_ =	swait.ge [sflag:s4], $0x0  }
0x19: {  	s7 =	sld [smem:$0x3F9E]  }
0x1a: {  	s8 =	sadd.s32 $0xFFFFE003, lr  }
0x1b: {  	s9 =	sadd.s32 $0xFFFFFEF7, lr;
	s5 =	simm.s32 $0xFFFFFFFF;
	p2 =	slt.u32 s8, $0xFFFFF086  }
0x1c: {  	p1 =	slt.u32 s9, $0xF7A;
	s5 =	simm.s32 @!p2 $0x0  }
0x1d: {  	s5 =	simm.s32 @p1 $0x1;
	p0 =	seq.s32 s7, s2  }
0x1e: {  	s7 =	smul.u32 @!p0 $0xF7A, s2;
	p2 =	seq.s32 @!p0 s5, $0x0  }
0x1f: {  	s9 =	smul.u32 $0xF7A, s1;
	s8 =	simm.s32 @!p0 $0x1BF5;
	p2 =	por !p2, p0  }
0x20: {  	[sflag:s8] =	ssyncset.s32 @!p0 $0xFFFFF086;
	s6 =	sadd.s32 @!p0 s3, s7;
	s7 =	simm.s32 @!p0 $0x108  }
0x21: {  	s3 =	sadd.s32 s3, s9;
	s6 =	sadd.s32 @!p0 $0x88, s6;
	s7 =	simm.s32 @p2 $0x1082  }
0x22: {  	[simem:s7], [sflag:s8] =	dma.local @!p0 [hbm:s6], $0xF7A  }
0x23: {  	s9 =	sor.u32 $0xD0000000, s2;
	s6 =	simm.s32 $0x108;
	_ =	swait.ge @!p0 [sflag:s8], $0x0  }
0x24: {  	s3 =	sadd.s32 $0x88, s3;
	s6 =	simm.s32 @!p1 $0x1082;
	[sflag:s4] =	ssyncset.s32 $0xFFFFF086  }
0x25: {  	[simem:s6], [sflag:s4] =	dma.local [hbm:s3], $0xF7A  }
0x26: {  	[smem:$0x3F9E] =	sst s1;
	(tag) =	ssettag s2;
	_ =	strace s9  }
0x27: {  	s1 =	sld [smem:$0x3FAE]  }
0x28: {  	s2 =	sld [smem:$0x3FAF]  }
0x29: {  	s4 =	sld [smem:$0x3FB1]  }
0x2a: {  	p0 =	seq.s32 s5, $0x0;
	s5 =	sld [smem:$0x3FB2]  }
0x2b: {  	s6 =	sld [smem:$0x3FB3]  }
0x2c: {  	s7 =	sld [smem:$0x3FB4]  }
0x2d: {  	s3 =	simm.s32 $0x108;
	s8 =	sld [smem:$0x3FB5]  }
0x2e: {  	s3 =	simm.s32 @!p0 $0x1082;
	s9 =	sld [smem:$0x3FB6]  }
0x2f: {  	lr =	sadd.s32 s0, s3;
	s0 =	sld [smem:$0x3FAD]  }
0x30: {  	s3 =	sld [smem:$0x3FB0]  }
0x31: {  	[smem:$0x3FB9] =	sst s10  }
0x32: {  	s10 =	sld [smem:$0x3FB7];
	_ =	sdelay $0x3  }
0x33: {  	p0 =	seq.s32 s10, $0x1;
	s10 =	sld [smem:$0x3FB9];
	_ =	sdelay $0x3  }
0x34: {  	[smem:$0x3FB9] =	sst s10  }
0x35: {  	s10 =	sld [smem:$0x3FB8];
	_ =	sdelay $0x3  }
0x36: {  	p1 =	seq.s32 s10, $0x1;
	s10 =	sld [smem:$0x3FB9];
	_ =	sdelay $0x3  }
0x37: {  	[smem:$0x3FB9] =	sst s10  }
0x38: {  	s10 =	sld [smem:$0x3FBA]  }
0x39: {  	_ = 	snop;
	(pc) =	sbr.ind lr, $3  }
0x3a: {  	_ = 	snop  }
0x3b: {  	_ = 	snop  }
0x3c: {  	p2 =	seq.s32 s10, $0x1;
	s10 =	sld [smem:$0x3FB9]  }
0x3d: {  	_ =	shalt  }
0x3e: {  	_ =	shalt  }
0x3f: {  	_ =	shalt  }
0x40: {  	_ =	shalt  }
0x41: {  	_ =	shalt  }
0x42: {  	_ =	shalt  }
0x43: {  	_ =	shalt  }
0x44: {  	_ =	shalt  }
0x45: {  	_ =	shalt  }
0x46: {  	_ =	shalt  }
0x47: {  	_ =	shalt  }
0x48: {  	_ =	shalt  }
0x49: {  	_ =	shalt  }
0x4a: {  	_ =	shalt  }
0x4b: {  	_ =	shalt  }
0x4c: {  	_ =	shalt  }
0x4d: {  	_ =	shalt  }
0x4e: {  	_ =	shalt  }
0x4f: {  	_ =	shalt  }
0x50: {  	_ =	shalt  }
0x51: {  	_ =	shalt  }
0x52: {  	_ =	shalt  }
0x53: {  	_ =	shalt  }
0x54: {  	_ =	shalt  }
0x55: {  	_ =	shalt  }
0x56: {  	_ =	shalt  }
0x57: {  	_ =	shalt  }
0x58: {  	_ =	shalt  }
0x59: {  	_ =	shalt  }
0x5a: {  	_ =	shalt  }
0x5b: {  	_ =	shalt  }
0x5c: {  	_ =	shalt  }
0x5d: {  	_ =	shalt  }
0x5e: {  	_ =	shalt  }
0x5f: {  	_ =	shalt  }
0x60: {  	_ =	shalt  }
0x61: {  	_ =	shalt  }
0x62: {  	_ =	shalt  }
0x63: {  	_ =	shalt  }
0x64: {  	_ =	shalt  }
0x65: {  	_ =	shalt  }
0x66: {  	_ =	shalt  }
0x67: {  	_ =	shalt  }
0x68: {  	_ =	shalt  }
0x69: {  	_ =	shalt  }
0x6a: {  	_ =	shalt  }
0x6b: {  	_ =	shalt  }
0x6c: {  	_ =	shalt  }
0x6d: {  	_ =	shalt  }
0x6e: {  	_ =	shalt  }
0x6f: {  	_ =	shalt  }
0x70: {  	_ =	shalt  }
0x71: {  	_ =	shalt  }
0x72: {  	_ =	shalt  }
0x73: {  	_ =	shalt  }
0x74: {  	_ =	shalt  }
0x75: {  	_ =	shalt  }
0x76: {  	_ =	shalt  }
0x77: {  	_ =	shalt  }
0x78: {  	_ =	shalt  }
0x79: {  	_ =	shalt  }
0x7a: {  	_ =	shalt  }
0x7b: {  	_ =	shalt  }
0x7c: {  	_ =	shalt  }
0x7d: {  	_ =	shalt  }
0x7e: {  	_ =	shalt  }
0x7f: {  	_ =	shalt  }
0x80: {  	_ =	shalt  }
0x81: {  	_ =	shalt  }
0x82: {  	_ =	shalt  }
0x83: {  	_ =	shalt  }
0x84: {  	_ =	shalt  }
0x85: {  	_ =	shalt  }
0x86: {  	_ =	shalt  }
0x87: {  	_ =	shalt  }
.Lfunc_end0:
.L_simem_size_0:
called_computation_lowered:
.L_overlay_start_0:
0x88: {  	s2 =	sld [smem:$0x3FD9]  }
0x89: {  	s3 =	sld [smem:$0x3FFE];
	_ =	sdelay $0x1  }
0x8a: {  	s1 =	srdreg.scid  }
0x8b: {  	s0 =	sand.u32 $0x1, s1  }
0x8c: {  	s17 =	sshll.u32 s0, $0xA;
	s2 =	sadd.s32 s3, s2  }
0x8d: {  	s2 =	sadd.s32 s2, s17  }
0x8e: {  	[smem:$0x3FC5] =	sst s2  }
0x8f: {  	_ = 	snop  }
0x90: {  	s2 =	sld [smem:$0x3FC9]  }
0x91: {  	s18 =	sld [smem:$0x3FD0];
	(tm) =	ssettm $0x1  }
0x92: {  	s4 =	sld [smem:$0x3FFB];
	_ =	sdelay $0x3  }
0x93: {  	_ =	strace s4  }
0x94: {  	s4 =	sld [smem:$0x3FFC];
	_ =	sdelay $0x3  }
0x95: {  	_ =	strace s4  }
0x96: {  	s4 =	sld [smem:$0x3FFD];
	_ =	sdelay $0x3  }
0x97: {  	_ =	strace s4  }
0x98: {  	_ =	strace $0x8FFFFFFF  }
0x99: {  	s19 =	sld [smem:$0x3FDB];
	_ =	sdelay $0x1  }
0x9a: {  	s5 =	simm.s32 $_scs_section_size  }
0x9b: {  	s6 =	simm.s32 $_size__tile_overlayer_lowered;
	s7 =	simm.s32 $_tile_overlayer_lowered  }
0x9c: {  	s22 =	simm.s32 $0x1BFF;
	s21 =	sshll.u32 s7, $0x1;
	s4 =	sadd.s32 s5, s19  }
0x9d: {  	s8 =	simm.s32 $0x0;
	s20 =	sshll.u32 s6, $0x1;
	s6 =	sadd.s32 s21, s4  }
0x9e: {  	[timem:s8], [sflag:s22] =	dma.local [hbm:s6], s20  }
0x9f: {  	_ =	swait.ge [sflag:s22], s20  }
0xa0: {  	s5 =	ssub.s32 $0x0, s20;
	[sflag:s22] =	ssyncset.done $0x0  }
0xa1: {  	[sflag:s22] =	ssyncadd.s32 s5;
	_ =	sdelay $0x1  }
0xa2: {  	s23 =	simm.s32 $0x1B8B  }
0xa3: {  	_ =	swait.ge [sflag:s23], $0x1  }
0xa4: {  	[sflag:s23] =	ssyncset.done $0x0  }
0xa5: {  	s25 =	simm.s32 $0x1B8E;
	s24 =	sld [smem:$0x3FFE];
	[sflag:s23] =	ssyncadd.s32 $0xFFFFFFFF  }
0xa6: {  	s26 =	simm.s32 $execute0_lowered;
	[smem:$0x3FD2] =	sst s25  }
0xa7: {  	s6 =	sshll.u32 s26, $0x1;
	_ =	strace $0x80000046;
	[dreg:$0x1] =	wrdreg $0xFFFFFFFF  }
0xa8: {  	s28 =	simm.s32 $_size_execute0_lowered;
	s4 =	sadd.s32 s4, s6;
	[dreg:$0x0] =	wrdreg $0x0  }
0xa9: {  	s6 =	sshll.u32 s28, $0x1;
	[dreg:$0x2] =	wrdreg s4  }
0xaa: {  	[dreg:$0x3] =	wrdreg s6  }
0xab: {  	[dreg:$0x4] =	wrdreg $0xC0  }
0xac: {  	_ =	task [dreg:s8], $0x5FFFF  }
0xad: {  	[dreg:$0x1] =	wrdreg $0xFFFFFFFF  }
0xae: {  	[dreg:$0x0] =	wrdreg $0x60  }
0xaf: {  	[dreg:$0x2] =	wrdreg s2  }
0xb0: {  	[dreg:$0x3] =	wrdreg s18  }
0xb1: {  	[dreg:$0x4] =	wrdreg s24  }
0xb2: {  	[dreg:$0x5] =	wrdreg $0x9  }
0xb3: {  	_ =	task.clear_ibuf [dreg:s8], $0x6FFFF;
	_ =	strace $0x90000046  }
0xb4: {  	s29 =	simm.s32 $0x9;
	_ =	strace $0x80000048  }
0xb5: {  	_ =	swait.ge [sflag:s29], $0x1  }
0xb6: {  	[sflag:s29] =	ssyncadd.s32 $0xFFFFFFFF  }
0xb7: {  	_ =	strace $0x90000048  }
0xb8: {  	_ =	sfence  }
0xb9: {  	s30 =	sld [smem:$0x0];
	_ =	sdelay $0x2  }
0xba: {  	s31 =	sshll.u32 s1, $0xD;
	s1 =	sshrl.u32 s1, $0x2  }
0xbb: {  	s3 =	sand.u32 $0x4000, s31;
	s1 =	sadd.s32 s1, s30  }
0xbc: {  	s0 =	sor.u32 s3, s0;
	s1 =	sshll.u32 s1, $0x11  }
0xbd: {  	s0 =	sor.u32 s1, s0  }
0xbe: {  	s0 =	sadd.s32 $0x8F2B, s0  }
0xbf: {  	[sflag:s0] =	ssyncadd.remote.s32 $0x1  }
0xc0: {  	_ =	sfence.sel $0xFFFF  }
0xc1: {  	[dreg:$0x0] =	wrdreg $0xFFFFFFFF;
	(pc) =	sbr.abs _section_cstart, $3  }
0xc2: {  	[dreg:$0x1] =	wrdreg $0xFFFFFFFF  }
0xc3: {  	_ =	task.clear_ibuf [dreg:s8], $0x2FFFF;
	_ =	strace $0x9FFFFFFF  }
0xc4: {  	(tm) =	ssettm $0x7FFFFFFF  }
0xc5: {  	_ =	shalt  }
tec
execute0_lowered:
.L_overlay_start_1:
0x0: {  	(tag) =	ssettag $0x1  }
0x1: {  	s1 =	rddreg [dreg:$0x0]  }
0x2: {  	s3 =	rddreg [dreg:$0x1]  }
0x3: {  	s8 =	rddreg [dreg:$0x2]  }
0x4: {  	s0 =	rddreg [dreg:$0x3]  }
0x5: {  	s5 =	srdreg.scid;
	s2 =	stileid.u32  }
0x6: {  	s4 =	simm.s32 $0x0;
	s6 =	sand.u32 $0x1, s5;
	s29 =	sshll.u32 s2, $0x1  }
0x7: {  	[smem:$0x7FF] =	sst s4;
	s5 =	simm.s32 $0x2;
	s9 =	sor.u32 s6, s29  }
0x8: {  	_ =	strace $0x80000047;
	p1 =	seq.s32 s6, $0x1;
	p0 =	seq.s32 s9, $0x0  }
0x9: {  	[tilespmem:s4], [sflag:$0x2] =	stream.linear.gather [hbm4b:s3+s4], $0x80, $0x38;
	[tilespmem:$0x880] =	vst v63  }
0xa: {  	p0 =	por !p0, !p1;
	_ =	swait.ge [sflag:s5], $0x80  }
0xb: {  	s7 =	simm.s32 $0x1;
	p0 =	por !p0, !p0;
	[sflag:s5] =	ssyncset.done $0x0  }
0xc: {  	s7 =	simm.s32 @!p0 $0x0;
	[sflag:s5] =	ssyncadd.s32 $0xFFFFFF80  }
0xd: {  	s7 =	ssub.s32 s2, s7;
	v1 =	vld [tilespmem:$0x0]  }
0xe: {  	v0 =	vmov s7  }
0xf: {  	v0 =	vand.u32 $0xF, v0  }
0x10: {  	v0 =	vbroadcast v0, $0x0;
	_ =	sdelay $0x1  }
0x11: {  	v2 =	vlaneseq.u32;
	s30 =	sshll.u32 s6, $0x4;
	v3 =	vperm.xlane v1, v0  }
0x12: {  	v1 =	vor.u32 s30, v2  }
0x13: {  	v2 =	vadd.s32 v3, v1  }
0x14: {  	s10 =	ssub.s32 $0x2, s6  }
0x15: {  	s11 =	sshrl.u32 s10, $0x1  }
0x16: {  	s6 =	simm.s32 $0x1;
	s9 =	sshll.u32 s9, $0x8;
	s31 =	ssub.s32 s10, s11  }
0x17: {  	vm0 =	vmmov $0xffff;
	s8 =	sadd.s32 s9, s8;
	s9 =	smax.u32 s31, $0x1;
	s7 =	simm.s32 $0x80  }
0x18: {  	[tilespmem:s7], [sflag:$0x1] =	stream.indirect_vreg.gather [hbm4b:s1+s4], $0x80, v2, vm0, $0xb8;
	[tilespmem:$0x880] =	vst v63  }
0x19: {  	p0 =	sne.s32 s9, $0x1;
	_ =	swait.ge [sflag:s6], $0x800  }
.Ltmp0:
0x1a: {  	[sflag:s6] =	ssyncset.done $0x0;
	(pc) =	sbr.rel @!p0 .LBB2_2-.Ltmp0, $4  }
0x1b: {  	s8 =	sadd.s32 $0x800, s8;
	[sflag:s6] =	ssyncadd.s32 $0xFFFFF800  }
0x1c: {  	[hbm4b:s8+s4] =	stream.linear.scatter [tilespmem:s7], [sflag:$0x2], $0x800, $0x38;
	[tilespmem:$0x880] =	vst v63  }
0x1d: {  	_ =	swait.ge [sflag:s5], $0x800  }
0x1e: {  	s9 =	sadd.s32 $0xFFFFFFFF, s9;
	[sflag:s5] =	ssyncset.done $0x0  }
.LBB2_1:
0x1f: {  	p0 =	sne.s32 s9, $0x1;
	s9 =	sadd.s32 $0xFFFFFFFF, s9;
	[sflag:s5] =	ssyncadd.s32 $0xFFFFF800  }
0x20: {  	[tilespmem:s4], [sflag:$0x2] =	stream.linear.gather [hbm4b:s3+s4], $0x80, $0x38;
	[tilespmem:$0x880] =	vst v63  }
0x21: {  	_ =	swait.ge [sflag:s5], $0x80  }
0x22: {  	[sflag:s5] =	ssyncset.done $0x0  }
0x23: {  	[sflag:s5] =	ssyncadd.s32 $0xFFFFFF80  }
0x24: {  	v2 =	vld [tilespmem:$0x0];
	_ =	sdelay $0x4  }
0x25: {  	v2 =	vperm.xlane v2, v0;
	_ =	sdelay $0x1  }
0x26: {  	v2 =	vadd.s32 v2, v1;
	_ =	sdelay $0x4  }
0x27: {  	[tilespmem:s7], [sflag:$0x1] =	stream.indirect_vreg.gather [hbm4b:s1+s4], $0x80, v2, vm0, $0xb8;
	[tilespmem:$0x880] =	vst v63  }
0x28: {  	_ =	swait.ge [sflag:s6], $0x800  }
.Ltmp1:
0x29: {  	[sflag:s6] =	ssyncset.done $0x0;
	(pc) =	sbr.rel @p0 .LBB2_1-.Ltmp1, $4  }
0x2a: {  	[sflag:s6] =	ssyncadd.s32 $0xFFFFF800  }
0x2b: {  	[hbm4b:s8+s4] =	stream.linear.scatter [tilespmem:s7], [sflag:$0x2], $0x800, $0x38;
	[tilespmem:$0x880] =	vst v63  }
0x2c: {  	_ =	swait.ge [sflag:s5], $0x800  }
0x2d: {  	[sflag:s5] =	ssyncset.done $0x0  }
.LBB2_2:
0x2e: {  	[sflag:s5] =	ssyncadd.s32 $0xFFFFF800  }
0x2f: {  	_ =	sfence.sel $0x180000  }
0x30: {  	[bflag:$0x0] =	sbarrier.arrive $0xFFFF  }
0x31: {  	p0 =	sne.s32 s2, $0x0;
	_ =	strace $0x90000047  }
0x32: {  	s0 =	sadd.s32 @!p0 $0x100000, s0;
	[bflag:$0x2] =	sbarrier.arrive $0xFFFF  }
0x33: {  	[sflag:s0] =	ssyncadd.tile.s32 @!p0 $0x1;
	_ =	shalt  }
.Lfunc_end2:
_tile_overlayer_lowered:
.L_overlay_start_2:
0x34: {  	(tag) =	ssettag $0x2  }
0x35: {  	s0 =	rddreg [dreg:$0x0];
	s2 =	stileid.u32  }
0x36: {  	s1 =	rddreg [dreg:$0x1];
	p0 =	sne.s32 s2, $0x0  }
0x37: {  	s3 =	rddreg [dreg:$0x2];
	[bflag:$0x3] =	sbarrier.arrive $0xFFFF;
	s2 =	simm.s32 @!p0 $0x1C02  }
0x38: {  	[timem:s3], [sflag:s2] =	dma.local @!p0 [hbm:s0], s1  }
0x39: {  	s0 =	simm.s32 @!p0 $0x2  }
0x3a: {  	_ =	swait.ge @!p0 [sflag:s0], s1  }
0x3b: {  	s1 =	ssub.s32 @!p0 $0x0, s1;
	[sflag:s0] =	ssyncset.done @!p0 $0x0  }
0x3c: {  	[sflag:s0] =	ssyncadd.s32 @!p0 s1  }
0x3d: {  	[bflag:$0x3] =	sbarrier.arrive $0xFFFF  }
0x3e: {  	_ =	shalt  }

</sc_bundles>
